<compile_context>
chip_gen: v7x
topology: tpu7x:2x2x1
jax: 0.10.2.dev20260603
libtpu: 0.0.44.dev20260713+nightly
codegen_flags: <defaults>
</compile_context>

<pallas_src>
import functools

import jax
import jax.numpy as jnp
from jax import lax
from jax.experimental import pallas as pl
from jax.experimental.pallas import tpu as pltpu
from jax.experimental.pallas import tpu_sc as plsc

N = 160000
D = 256
NUM_SEG = 10000

_BM = 10240
_G = _BM // 128
_NROW = N // 128

_NC = 2
_NS = 16
_NW = _NC * _NS
_CHUNK = N // _NW


def _mv_body(x_ref, w_ref, o_ref):
    v = jnp.dot(x_ref[...], w_ref[...], preferred_element_type=jnp.float32)
    o_ref[...] = v.reshape(_G, 128)


def _matvec(x, W):
    grid = (N + _BM - 1) // _BM
    return pl.pallas_call(
        _mv_body,
        grid=(grid,),
        in_specs=[
            pl.BlockSpec((_BM, D), lambda i: (i, 0)),
            pl.BlockSpec((D, 1), lambda i: (0, 0)),
        ],
        out_specs=pl.BlockSpec((_G, 128), lambda i: (i, 0)),
        out_shape=jax.ShapeDtypeStruct((_NROW, 128), jnp.float32),
    )(x, W)


_sc_mesh = plsc.VectorSubcoreMesh(
    core_axis_name="c", subcore_axis_name="s",
    num_cores=_NC, num_subcores=_NS)


@functools.partial(
    pl.kernel,
    out_type=jax.ShapeDtypeStruct((_NC, NUM_SEG), jnp.float32),
    mesh=_sc_mesh,
    scratch_types=[
        pltpu.VMEM((_CHUNK,), jnp.float32),
        pltpu.VMEM((_CHUNK,), jnp.int32),
        pltpu.VMEM_SHARED((NUM_SEG,), jnp.float32),
    ],
)
def _segsum(v_hbm, y_hbm, zeros_hbm, out_hbm, v_vmem, y_vmem, acc_shared):
    c = lax.axis_index("c")
    s = lax.axis_index("s")
    base = (c * _NS + s) * _CHUNK

    @pl.when(s == 0)
    def _():
        pltpu.sync_copy(zeros_hbm, acc_shared)

    plsc.subcore_barrier()

    pltpu.sync_copy(v_hbm.at[pl.ds(base, _CHUNK)], v_vmem)
    pltpu.sync_copy(y_hbm.at[pl.ds(base, _CHUNK)], y_vmem)

    pltpu.sync_copy(v_vmem, acc_shared.at[y_vmem], add=True)

    plsc.subcore_barrier()

    @pl.when(s == 0)
    def _():
        pltpu.sync_copy(acc_shared, out_hbm.at[c])


def kernel(x, y, z, W, b):
    v2 = _matvec(x, W)
    seg = jnp.squeeze(y, axis=1).astype(jnp.int32)
    zeros = jnp.zeros((NUM_SEG,), jnp.float32)
    p = _segsum(v2.reshape(N), seg, zeros)
    return (p[0] + p[1] + b)[:, None]

# --- scband reference (transcript-rebuilt; emitter-appended) ---
"""Pipeline reference for scband-m2-11879879542428 (READ-ONLY COPY).

The authoritative reference and input builder live on the scoring server;
editing this copy changes nothing except your own understanding.
"""

import jax, jax.numpy as jnp
import numpy as np

N = 160000
D = 256
NUM_SEG = 10000

def setup_inputs(seed: int = 0) -> dict:
    key = jax.random.key(seed)
    k1, k2, k3, k4 = jax.random.split(key, 4)
    x = jax.random.normal(k1, (N, D), dtype=jnp.float32)
    y = jnp.sort(jax.random.randint(k2, (N, 1), 0, NUM_SEG), axis=0)
    z = jax.random.normal(k3, (1,), dtype=jnp.float32)
    W = jax.random.normal(k4, (D, 1), dtype=jnp.float32) * (1.0 / np.sqrt(D))
    b = jnp.zeros((1,), dtype=jnp.float32)
    return {"x": x, "y": y, "z": z, "W": W, "b": b}

def reference(x, y, z, W, b):
    # x = tf.math.segment_sum(x, tf.squeeze(y)); return Dense(1)(x)
    seg = jnp.squeeze(y)
    s = jax.ops.segment_sum(x, seg, num_segments=NUM_SEG)
    return s @ W + b

if __name__ == "__main__":
    import jax
    _d = setup_inputs()
    print(jax.jit(kernel)(*tuple(_d.values())))

</pallas_src>

<mosaic_0001>
#map = affine_map<(d0, d1) -> (0)>
#map1 = affine_map<(d0, d1) -> (0, 0)>
module attributes {stable_mosaic.version = 14 : i64} {
  func.func @_segsum(%arg0: i32, %arg1: i32, %arg2: memref<160000xf32, #tpu.memory_space<hbm>>, %arg3: memref<160000xi32, #tpu.memory_space<hbm>>, %arg4: memref<10000xf32, #tpu.memory_space<hbm>>, %arg5: memref<2x10000xf32, #tpu.memory_space<hbm>>, %arg6: memref<5000xf32, #tpu.memory_space<vmem>>, %arg7: memref<5000xi32, #tpu.memory_space<vmem>>, %arg8: memref<10000xf32, #tpu.memory_space<vmem_shared>>) attributes {dimension_semantics = [#tpu.dimension_semantics<core_parallel>, #tpu.dimension_semantics<subcore_parallel>], iteration_bounds = array<i64: 2, 16>, scalar_prefetch = 0 : i64, scratch_operands = 3 : i64, tpu.core_type = #tpu.core_type<sc_vector_subcore>, window_params = [{transform_indices = #map}, {transform_indices = #map}, {transform_indices = #map}, {transform_indices = #map1}]} {
    %mul3A = arith.constant 16 : i32
    %mul3A_0 = arith.muli %arg0, %mul3A : i32
    %add3A = arith.addi %mul3A_0, %arg1 : i32
    %mul3A_1 = arith.constant 5000 : i32
    %mul3A_2 = arith.muli %add3A, %mul3A_1 : i32
    %eq3A = arith.constant 0 : i32
    %eq3A_3 = arith.cmpi eq, %arg1, %eq3A : i32
    %convert_element_type3A = arith.extui %eq3A_3 : i1 to i32
    %cond3A = arith.constant 0 : i32
    %cond3A_4 = arith.cmpi ne, %convert_element_type3A, %cond3A : i32
    scf.if %cond3A_4 {
      "tpu.region"() ({
        %run_scoped3A = tpu.sem_alloc : memref<!tpu.dma_semaphore, #tpu.memory_space<semaphore_mem>>
        tpu.enqueue_dma source(%arg4 : memref<10000xf32, #tpu.memory_space<hbm>>) target(%arg8 : memref<10000xf32, #tpu.memory_space<vmem_shared>>) target_semaphore(%run_scoped3A : memref<!tpu.dma_semaphore, #tpu.memory_space<semaphore_mem>>)
        tpu.wait_dma2 semaphore(%run_scoped3A : memref<!tpu.dma_semaphore, #tpu.memory_space<semaphore_mem>>) src(%arg4 : memref<10000xf32, #tpu.memory_space<hbm>>) dst(%arg8 : memref<10000xf32, #tpu.memory_space<vmem_shared>>)
        tpu.yield
      }) : () -> ()
    } else {
    }
    %barrier3A = arith.constant 0 : index
    tpu.barrier barrier_id(%barrier3A)
    "tpu.region"() ({
      %run_scoped3A = tpu.sem_alloc : memref<!tpu.dma_semaphore, #tpu.memory_space<semaphore_mem>>
      %dma_start3A = tpu.memref_slice %arg2[%mul3A_2] : memref<160000xf32, #tpu.memory_space<hbm>> -> memref<5000xf32, #tpu.memory_space<hbm>>
      %dma_start3A_11 = tpu.memref_slice %arg2[%mul3A_2] : memref<160000xf32, #tpu.memory_space<hbm>> -> memref<5000xf32, #tpu.memory_space<hbm>>
      tpu.enqueue_dma source(%dma_start3A_11 : memref<5000xf32, #tpu.memory_space<hbm>>) target(%arg6 : memref<5000xf32, #tpu.memory_space<vmem>>) target_semaphore(%run_scoped3A : memref<!tpu.dma_semaphore, #tpu.memory_space<semaphore_mem>>)
      %dma_wait3A = tpu.memref_slice %arg2[%mul3A_2] : memref<160000xf32, #tpu.memory_space<hbm>> -> memref<5000xf32, #tpu.memory_space<hbm>>
      %dma_wait3A_12 = tpu.memref_slice %arg2[%mul3A_2] : memref<160000xf32, #tpu.memory_space<hbm>> -> memref<5000xf32, #tpu.memory_space<hbm>>
      tpu.wait_dma2 semaphore(%run_scoped3A : memref<!tpu.dma_semaphore, #tpu.memory_space<semaphore_mem>>) src(%dma_wait3A_12 : memref<5000xf32, #tpu.memory_space<hbm>>) dst(%arg6 : memref<5000xf32, #tpu.memory_space<vmem>>)
      tpu.yield
    }) : () -> ()
    "tpu.region"() ({
      %run_scoped3A = tpu.sem_alloc : memref<!tpu.dma_semaphore, #tpu.memory_space<semaphore_mem>>
      %dma_start3A = tpu.memref_slice %arg3[%mul3A_2] : memref<160000xi32, #tpu.memory_space<hbm>> -> memref<5000xi32, #tpu.memory_space<hbm>>
      %dma_start3A_11 = tpu.memref_slice %arg3[%mul3A_2] : memref<160000xi32, #tpu.memory_space<hbm>> -> memref<5000xi32, #tpu.memory_space<hbm>>
      tpu.enqueue_dma source(%dma_start3A_11 : memref<5000xi32, #tpu.memory_space<hbm>>) target(%arg7 : memref<5000xi32, #tpu.memory_space<vmem>>) target_semaphore(%run_scoped3A : memref<!tpu.dma_semaphore, #tpu.memory_space<semaphore_mem>>)
      %dma_wait3A = tpu.memref_slice %arg3[%mul3A_2] : memref<160000xi32, #tpu.memory_space<hbm>> -> memref<5000xi32, #tpu.memory_space<hbm>>
      %dma_wait3A_12 = tpu.memref_slice %arg3[%mul3A_2] : memref<160000xi32, #tpu.memory_space<hbm>> -> memref<5000xi32, #tpu.memory_space<hbm>>
      tpu.wait_dma2 semaphore(%run_scoped3A : memref<!tpu.dma_semaphore, #tpu.memory_space<semaphore_mem>>) src(%dma_wait3A_12 : memref<5000xi32, #tpu.memory_space<hbm>>) dst(%arg7 : memref<5000xi32, #tpu.memory_space<vmem>>)
      tpu.yield
    }) : () -> ()
    "tpu.region"() ({
      %run_scoped3A = tpu.sem_alloc : memref<!tpu.dma_semaphore, #tpu.memory_space<semaphore_mem>>
      %dma_start3A = arith.constant 0 : i32
      %dma_start3A_11 = tpu.memref_slice %arg8[%dma_start3A] : memref<10000xf32, #tpu.memory_space<vmem_shared>> -> memref<10000xf32, #tpu.memory_space<vmem_shared>>
      tpu.enqueue_indirect_dma source(%arg6 : memref<5000xf32, #tpu.memory_space<vmem>>) target(%dma_start3A_11 : memref<10000xf32, #tpu.memory_space<vmem_shared>>) offsets(%arg7 : memref<5000xi32, #tpu.memory_space<vmem>>) semaphore(%run_scoped3A : memref<!tpu.dma_semaphore, #tpu.memory_space<semaphore_mem>>) {add = true}
      %dma_wait3A = arith.constant 0 : i32
      %dma_wait3A_12 = tpu.memref_slice %arg8[%dma_wait3A] : memref<10000xf32, #tpu.memory_space<vmem_shared>> -> memref<10000xf32, #tpu.memory_space<vmem_shared>>
      tpu.wait_indirect_dma semaphore(%run_scoped3A : memref<!tpu.dma_semaphore, #tpu.memory_space<semaphore_mem>>) src(%arg6 : memref<5000xf32, #tpu.memory_space<vmem>>) dst(%dma_wait3A_12 : memref<10000xf32, #tpu.memory_space<vmem_shared>>)
      tpu.yield
    }) : () -> ()
    %barrier3A_5 = arith.constant 0 : index
    tpu.barrier barrier_id(%barrier3A_5)
    %eq3A_6 = arith.constant 0 : i32
    %eq3A_7 = arith.cmpi eq, %arg1, %eq3A_6 : i32
    %convert_element_type3A_8 = arith.extui %eq3A_7 : i1 to i32
    %cond3A_9 = arith.constant 0 : i32
    %cond3A_10 = arith.cmpi ne, %convert_element_type3A_8, %cond3A_9 : i32
    scf.if %cond3A_10 {
      "tpu.region"() ({
        %run_scoped3A = tpu.sem_alloc : memref<!tpu.dma_semaphore, #tpu.memory_space<semaphore_mem>>
        %dma_start3A = arith.constant 0 : i32
        %dma_start3A_11 = tpu.memref_slice %arg5[%arg0, %dma_start3A] : memref<2x10000xf32, #tpu.memory_space<hbm>> -> memref<1x10000xf32, #tpu.memory_space<hbm>>
        %dma_start3A_12 = tpu.memref_squeeze %dma_start3A_11 : memref<1x10000xf32, #tpu.memory_space<hbm>> -> memref<10000xf32, #tpu.memory_space<hbm>>
        tpu.enqueue_dma source(%arg8 : memref<10000xf32, #tpu.memory_space<vmem_shared>>) target(%dma_start3A_12 : memref<10000xf32, #tpu.memory_space<hbm>>) target_semaphore(%run_scoped3A : memref<!tpu.dma_semaphore, #tpu.memory_space<semaphore_mem>>)
        %dma_wait3A = arith.constant 0 : i32
        %dma_wait3A_13 = tpu.memref_slice %arg5[%arg0, %dma_wait3A] : memref<2x10000xf32, #tpu.memory_space<hbm>> -> memref<1x10000xf32, #tpu.memory_space<hbm>>
        %dma_wait3A_14 = tpu.memref_squeeze %dma_wait3A_13 : memref<1x10000xf32, #tpu.memory_space<hbm>> -> memref<10000xf32, #tpu.memory_space<hbm>>
        tpu.wait_dma2 semaphore(%run_scoped3A : memref<!tpu.dma_semaphore, #tpu.memory_space<semaphore_mem>>) src(%arg8 : memref<10000xf32, #tpu.memory_space<vmem_shared>>) dst(%dma_wait3A_14 : memref<10000xf32, #tpu.memory_space<hbm>>)
        tpu.yield
      }) : () -> ()
    } else {
    }
    return
  }
}

module attributes {stable_mosaic.version = 14 : i64} {
  func.func @_mv_body(%arg0: i32, %arg1: memref<10240x256xf32, #tpu.memory_space<vmem>>, %arg2: memref<256x1xf32, #tpu.memory_space<vmem>>, %arg3: memref<80x128xf32, #tpu.memory_space<vmem>>) attributes {dimension_semantics = [#tpu.dimension_semantics<arbitrary>], iteration_bounds = array<i64: 16>, scalar_prefetch = 0 : i64, scratch_operands = 0 : i64, tpu.core_type = #tpu.core_type<tc>, window_params = [{transform_indices = @transform_0, window_bounds = array<i64: 10240, 256>}, {pipeline_mode = #tpu.pipeline_mode<synchronous>, transform_indices = @transform_1, window_bounds = array<i64: 256, 1>}, {transform_indices = @transform_2, window_bounds = array<i64: 80, 128>}]} {
    %get3A = arith.constant 0 : index
    %get3A_0 = arith.constant 0 : index
    %get3A_1 = vector.load %arg1[%get3A, %get3A_0] : memref<10240x256xf32, #tpu.memory_space<vmem>>, vector<10240x256xf32>
    %get3A_2 = arith.constant 0 : index
    %get3A_3 = arith.constant 0 : index
    %get3A_4 = vector.load %arg2[%get3A_2, %get3A_3] : memref<256x1xf32, #tpu.memory_space<vmem>>, vector<256x1xf32>
    %dot_general3A = arith.constant dense<0.000000e+00> : vector<10240x1xf32>
    %dot_general3A_5 = tpu.matmul %get3A_1, %get3A_4, %dot_general3A {dimension_numbers = #tpu.dot_dimension_numbers<[1], [0], [0], [1], [0, 0, 1, 1], [], []>, transpose_lhs_hint = false} : vector<10240x256xf32>, vector<256x1xf32>, vector<10240x1xf32> -> vector<10240x1xf32>
    %reshape3A = vector.shape_cast %dot_general3A_5 : vector<10240x1xf32> to vector<80x128xf32>
    %swap3A = arith.constant 0 : index
    %swap3A_6 = arith.constant 0 : index
    %swap3A_7 = vector.load %arg3[%swap3A, %swap3A_6] : memref<80x128xf32, #tpu.memory_space<vmem>>, vector<80x128xf32>
    tpu.vector_store %arg3[%swap3A, %swap3A_6], %reshape3A {strides = array<i32>} : memref<80x128xf32, #tpu.memory_space<vmem>>, vector<80x128xf32>,
    return
  }
  func.func @transform_0(%arg0: i32) -> (i32, i32) {
    %c0_i32 = arith.constant 0 : i32
    %c0_i32_0 = arith.constant 0 : i32
    return %arg0, %c0_i32 : i32, i32
  }
  func.func @transform_1(%arg0: i32) -> (i32, i32) {
    %c0_i32 = arith.constant 0 : i32
    %c0_i32_0 = arith.constant 0 : i32
    %c0_i32_1 = arith.constant 0 : i32
    return %c0_i32, %c0_i32_0 : i32, i32
  }
  func.func @transform_2(%arg0: i32) -> (i32, i32) {
    %c0_i32 = arith.constant 0 : i32
    %c0_i32_0 = arith.constant 0 : i32
    return %arg0, %c0_i32 : i32, i32
  }
}

</mosaic_0001>

<sc_bundles>
// kernel: kernel.4.cloned.1.call-start
scs
__scs_entry_jumppad:
0x0: {  	(pc) =	sbr.rel $0x88, $3  }
0x1: {  	(tag) =	ssettag $0x0;
	lr =	simm.s32 $0x1  }
0x2: {  	[smem:$0x3F9D] =	sst lr;
	_ =	strace $0xD0000000  }
0x3: {  	_ = 	snop  }
0x4: {  	_ = 	snop  }
0x5: {  	_ = 	snop  }
0x6: {  	_ = 	snop  }
0x7: {  	_ = 	snop  }
__scs_overlays_trampoline_lowered:
0x8: {  	[smem:$0x3FAC] =	sst s0  }
0x9: {  	[smem:$0x3FAD] =	sst s1  }
0xa: {  	[smem:$0x3FAE] =	sst s2  }
0xb: {  	[smem:$0x3FAF] =	sst s3  }
0xc: {  	[smem:$0x3FB0] =	sst s4  }
0xd: {  	[smem:$0x3FB1] =	sst s5  }
0xe: {  	[smem:$0x3FB2] =	sst s6  }
0xf: {  	[smem:$0x3FB3] =	sst s7  }
0x10: {  	[smem:$0x3FB4] =	sst s8  }
0x11: {  	[smem:$0x3FB5] =	sst s9;
	s0 =	simm.s32 @!p0 $0x0  }
0x12: {  	s1 =	sld [smem:$0x3F9B];
	s0 =	simm.s32 @p0 $0x1  }
0x13: {  	[smem:$0x3FB6] =	sst s0;
	s0 =	simm.s32 @!p1 $0x0  }
0x14: {  	s2 =	sld [smem:$0x3F9A];
	s0 =	simm.s32 @p1 $0x1  }
0x15: {  	[smem:$0x3FB7] =	sst s0;
	s0 =	simm.s32 @!p2 $0x0  }
0x16: {  	s3 =	sld [smem:$0x3FDB];
	s0 =	simm.s32 @p2 $0x1  }
0x17: {  	s4 =	simm.s32 $0x1BF5;
	[smem:$0x3FB9] =	sst s0  }
0x18: {  	s0 =	sld [smem:$0x3F9C];
	_ =	swait.ge [sflag:s4], $0x0  }
0x19: {  	s7 =	sld [smem:$0x3F9D]  }
0x1a: {  	s8 =	sadd.s32 $0xFFFFE003, lr  }
0x1b: {  	s9 =	sadd.s32 $0xFFFFFEF7, lr;
	s5 =	simm.s32 $0xFFFFFFFF;
	p2 =	slt.u32 s8, $0xFFFFF086  }
0x1c: {  	p1 =	slt.u32 s9, $0xF7A;
	s5 =	simm.s32 @!p2 $0x0  }
0x1d: {  	s5 =	simm.s32 @p1 $0x1;
	p0 =	seq.s32 s7, s2  }
0x1e: {  	s7 =	smul.u32 @!p0 $0xF7A, s2;
	p2 =	seq.s32 @!p0 s5, $0x0  }
0x1f: {  	s9 =	smul.u32 $0xF7A, s1;
	s8 =	simm.s32 @!p0 $0x1BF5;
	p2 =	por !p2, p0  }
0x20: {  	[sflag:s8] =	ssyncset.s32 @!p0 $0xFFFFF086;
	s6 =	sadd.s32 @!p0 s3, s7;
	s7 =	simm.s32 @!p0 $0x108  }
0x21: {  	s3 =	sadd.s32 s3, s9;
	s6 =	sadd.s32 @!p0 $0x88, s6;
	s7 =	simm.s32 @p2 $0x1082  }
0x22: {  	[simem:s7], [sflag:s8] =	dma.local @!p0 [hbm:s6], $0xF7A  }
0x23: {  	s9 =	sor.u32 $0xD0000000, s2;
	s6 =	simm.s32 $0x108;
	_ =	swait.ge @!p0 [sflag:s8], $0x0  }
0x24: {  	s3 =	sadd.s32 $0x88, s3;
	s6 =	simm.s32 @!p1 $0x1082;
	[sflag:s4] =	ssyncset.s32 $0xFFFFF086  }
0x25: {  	[simem:s6], [sflag:s4] =	dma.local [hbm:s3], $0xF7A  }
0x26: {  	[smem:$0x3F9D] =	sst s1;
	(tag) =	ssettag s2;
	_ =	strace s9  }
0x27: {  	s1 =	sld [smem:$0x3FAD]  }
0x28: {  	s2 =	sld [smem:$0x3FAE]  }
0x29: {  	s4 =	sld [smem:$0x3FB0]  }
0x2a: {  	p0 =	seq.s32 s5, $0x0;
	s5 =	sld [smem:$0x3FB1]  }
0x2b: {  	s6 =	sld [smem:$0x3FB2]  }
0x2c: {  	s7 =	sld [smem:$0x3FB3]  }
0x2d: {  	s3 =	simm.s32 $0x108;
	s8 =	sld [smem:$0x3FB4]  }
0x2e: {  	s3 =	simm.s32 @!p0 $0x1082;
	s9 =	sld [smem:$0x3FB5]  }
0x2f: {  	lr =	sadd.s32 s0, s3;
	s0 =	sld [smem:$0x3FAC]  }
0x30: {  	s3 =	sld [smem:$0x3FAF]  }
0x31: {  	[smem:$0x3FB8] =	sst s10  }
0x32: {  	s10 =	sld [smem:$0x3FB6];
	_ =	sdelay $0x3  }
0x33: {  	p0 =	seq.s32 s10, $0x1;
	s10 =	sld [smem:$0x3FB8];
	_ =	sdelay $0x3  }
0x34: {  	[smem:$0x3FB8] =	sst s10  }
0x35: {  	s10 =	sld [smem:$0x3FB7];
	_ =	sdelay $0x3  }
0x36: {  	p1 =	seq.s32 s10, $0x1;
	s10 =	sld [smem:$0x3FB8];
	_ =	sdelay $0x3  }
0x37: {  	[smem:$0x3FB8] =	sst s10  }
0x38: {  	s10 =	sld [smem:$0x3FB9]  }
0x39: {  	_ = 	snop;
	(pc) =	sbr.ind lr, $3  }
0x3a: {  	_ = 	snop  }
0x3b: {  	_ = 	snop  }
0x3c: {  	p2 =	seq.s32 s10, $0x1;
	s10 =	sld [smem:$0x3FB8]  }
0x3d: {  	_ =	shalt  }
0x3e: {  	_ =	shalt  }
0x3f: {  	_ =	shalt  }
0x40: {  	_ =	shalt  }
0x41: {  	_ =	shalt  }
0x42: {  	_ =	shalt  }
0x43: {  	_ =	shalt  }
0x44: {  	_ =	shalt  }
0x45: {  	_ =	shalt  }
0x46: {  	_ =	shalt  }
0x47: {  	_ =	shalt  }
0x48: {  	_ =	shalt  }
0x49: {  	_ =	shalt  }
0x4a: {  	_ =	shalt  }
0x4b: {  	_ =	shalt  }
0x4c: {  	_ =	shalt  }
0x4d: {  	_ =	shalt  }
0x4e: {  	_ =	shalt  }
0x4f: {  	_ =	shalt  }
0x50: {  	_ =	shalt  }
0x51: {  	_ =	shalt  }
0x52: {  	_ =	shalt  }
0x53: {  	_ =	shalt  }
0x54: {  	_ =	shalt  }
0x55: {  	_ =	shalt  }
0x56: {  	_ =	shalt  }
0x57: {  	_ =	shalt  }
0x58: {  	_ =	shalt  }
0x59: {  	_ =	shalt  }
0x5a: {  	_ =	shalt  }
0x5b: {  	_ =	shalt  }
0x5c: {  	_ =	shalt  }
0x5d: {  	_ =	shalt  }
0x5e: {  	_ =	shalt  }
0x5f: {  	_ =	shalt  }
0x60: {  	_ =	shalt  }
0x61: {  	_ =	shalt  }
0x62: {  	_ =	shalt  }
0x63: {  	_ =	shalt  }
0x64: {  	_ =	shalt  }
0x65: {  	_ =	shalt  }
0x66: {  	_ =	shalt  }
0x67: {  	_ =	shalt  }
0x68: {  	_ =	shalt  }
0x69: {  	_ =	shalt  }
0x6a: {  	_ =	shalt  }
0x6b: {  	_ =	shalt  }
0x6c: {  	_ =	shalt  }
0x6d: {  	_ =	shalt  }
0x6e: {  	_ =	shalt  }
0x6f: {  	_ =	shalt  }
0x70: {  	_ =	shalt  }
0x71: {  	_ =	shalt  }
0x72: {  	_ =	shalt  }
0x73: {  	_ =	shalt  }
0x74: {  	_ =	shalt  }
0x75: {  	_ =	shalt  }
0x76: {  	_ =	shalt  }
0x77: {  	_ =	shalt  }
0x78: {  	_ =	shalt  }
0x79: {  	_ =	shalt  }
0x7a: {  	_ =	shalt  }
0x7b: {  	_ =	shalt  }
0x7c: {  	_ =	shalt  }
0x7d: {  	_ =	shalt  }
0x7e: {  	_ =	shalt  }
0x7f: {  	_ =	shalt  }
0x80: {  	_ =	shalt  }
0x81: {  	_ =	shalt  }
0x82: {  	_ =	shalt  }
0x83: {  	_ =	shalt  }
0x84: {  	_ =	shalt  }
0x85: {  	_ =	shalt  }
0x86: {  	_ =	shalt  }
0x87: {  	_ =	shalt  }
.Lfunc_end0:
.L_simem_size_0:
called_computation_lowered:
.L_overlay_start_0:
0x88: {  	s2 =	sld [smem:$0x3FD9]  }
0x89: {  	s3 =	sld [smem:$0x3FFE];
	_ =	sdelay $0x1  }
0x8a: {  	s1 =	srdreg.scid  }
0x8b: {  	s0 =	sand.u32 $0x1, s1  }
0x8c: {  	s16 =	sshll.u32 s0, $0xA;
	s2 =	sadd.s32 s3, s2  }
0x8d: {  	s2 =	sadd.s32 s2, s16  }
0x8e: {  	[smem:$0x3FC4] =	sst s2  }
0x8f: {  	_ = 	snop  }
0x90: {  	(tm) =	ssettm $0x1  }
0x91: {  	s17 =	sld [smem:$0x3FFB];
	_ =	sdelay $0x3  }
0x92: {  	_ =	strace s17  }
0x93: {  	s2 =	sld [smem:$0x3FFC];
	_ =	sdelay $0x3  }
0x94: {  	_ =	strace s2  }
0x95: {  	s2 =	sld [smem:$0x3FFD];
	_ =	sdelay $0x3  }
0x96: {  	_ =	strace s2  }
0x97: {  	_ =	strace $0x8FFFFFFF  }
0x98: {  	s18 =	sld [smem:$0x3FDB];
	_ =	sdelay $0x1  }
0x99: {  	s19 =	simm.s32 $_scs_section_size  }
0x9a: {  	s4 =	simm.s32 $_size__tile_overlayer_lowered;
	s5 =	simm.s32 $_tile_overlayer_lowered  }
0x9b: {  	s22 =	simm.s32 $0x1BFF;
	s21 =	sshll.u32 s5, $0x1;
	s2 =	sadd.s32 s19, s18  }
0x9c: {  	s6 =	simm.s32 $0x0;
	s20 =	sshll.u32 s4, $0x1;
	s4 =	sadd.s32 s21, s2  }
0x9d: {  	[timem:s6], [sflag:s22] =	dma.local [hbm:s4], s20  }
0x9e: {  	_ =	swait.ge [sflag:s22], s20  }
0x9f: {  	s3 =	ssub.s32 $0x0, s20;
	[sflag:s22] =	ssyncset.done $0x0  }
0xa0: {  	[sflag:s22] =	ssyncadd.s32 s3;
	_ =	sdelay $0x1  }
0xa1: {  	s23 =	simm.s32 $0x1B8B  }
0xa2: {  	_ =	swait.ge [sflag:s23], $0x1  }
0xa3: {  	[sflag:s23] =	ssyncset.done $0x0  }
0xa4: {  	s25 =	simm.s32 $0x1B8E;
	s24 =	sld [smem:$0x3FFE];
	[sflag:s23] =	ssyncadd.s32 $0xFFFFFFFF  }
0xa5: {  	s26 =	simm.s32 $execute0_lowered;
	[smem:$0x3FD2] =	sst s25  }
0xa6: {  	s4 =	sshll.u32 s26, $0x1;
	_ =	strace $0x80000046;
	[dreg:$0x1] =	wrdreg $0xFFFFFFFF  }
0xa7: {  	s28 =	simm.s32 $_size_execute0_lowered;
	s2 =	sadd.s32 s2, s4;
	[dreg:$0x0] =	wrdreg $0x0  }
0xa8: {  	s4 =	sshll.u32 s28, $0x1;
	[dreg:$0x2] =	wrdreg s2  }
0xa9: {  	[dreg:$0x3] =	wrdreg s4  }
0xaa: {  	[dreg:$0x4] =	wrdreg $0xC0  }
0xab: {  	_ =	task [dreg:s6], $0x5FFFF  }
0xac: {  	[dreg:$0x1] =	wrdreg $0xFFFFFFFF  }
0xad: {  	[dreg:$0x0] =	wrdreg $0x60  }
0xae: {  	[dreg:$0x2] =	wrdreg s24  }
0xaf: {  	[dreg:$0x3] =	wrdreg $0x28000  }
0xb0: {  	[dreg:$0x4] =	wrdreg $0x9  }
0xb1: {  	_ =	task.clear_ibuf [dreg:s6], $0x5FFFF;
	_ =	strace $0x90000046  }
0xb2: {  	s29 =	simm.s32 $0x9;
	_ =	strace $0x80000048  }
0xb3: {  	_ =	swait.ge [sflag:s29], $0x1  }
0xb4: {  	[sflag:s29] =	ssyncadd.s32 $0xFFFFFFFF  }
0xb5: {  	_ =	strace $0x90000048  }
0xb6: {  	_ =	sfence  }
0xb7: {  	s30 =	sld [smem:$0x0];
	_ =	sdelay $0x2  }
0xb8: {  	s31 =	sshll.u32 s1, $0xD;
	s1 =	sshrl.u32 s1, $0x2  }
0xb9: {  	s3 =	sand.u32 $0x4000, s31;
	s1 =	sadd.s32 s1, s30  }
0xba: {  	s0 =	sor.u32 s3, s0;
	s1 =	sshll.u32 s1, $0x11  }
0xbb: {  	s0 =	sor.u32 s1, s0  }
0xbc: {  	s0 =	sadd.s32 $0x8F2B, s0  }
0xbd: {  	[sflag:s0] =	ssyncadd.remote.s32 $0x1  }
0xbe: {  	_ =	sfence.sel $0xFFFF  }
0xbf: {  	[dreg:$0x0] =	wrdreg $0xFFFFFFFF;
	(pc) =	sbr.abs _section_cstart, $3  }
0xc0: {  	[dreg:$0x1] =	wrdreg $0xFFFFFFFF  }
0xc1: {  	_ =	task.clear_ibuf [dreg:s6], $0x2FFFF;
	_ =	strace $0x9FFFFFFF  }
0xc2: {  	(tm) =	ssettm $0x7FFFFFFF  }
0xc3: {  	_ =	shalt  }
tec
execute0_lowered:
.L_overlay_start_1:
0x0: {  	(tag) =	ssettag $0x1  }
0x1: {  	s0 =	srdreg.scid  }
0x2: {  	s3 =	sand.u32 $0x1, s0  }
0x3: {  	s6 =	sshll.u32 s3, $0x4;
	s3 =	ssub.s32 $0x2, s3  }
0x4: {  	s30 =	sshrl.u32 s3, $0x1  }
0x5: {  	s4 =	rddreg [dreg:$0x0];
	s3 =	ssub.s32 s3, s30  }
0x6: {  	s5 =	stileid.u32;
	s1 =	rddreg [dreg:$0x1];
	s31 =	smax.u32 s3, $0x1  }
0x7: {  	s2 =	simm.s32 $0x0;
	s7 =	sor.u32 s5, s6;
	s13 =	sadd.s32 $0xFFFFFFFF, s31  }
0x8: {  	s10 =	simm.s32 $0x1388;
	s7 =	smul.u32 $0x271, s7;
	p2 =	sne.s32 s13, $0x0  }
.Ltmp0:
0x9: {  	p1 =	por $0x0, $0x0;
	s0 =	rddreg [dreg:$0x2];
	(pc) =	sbr.rel @!p2 .LBB2_3-.Ltmp0, $4  }
0xa: {  	[smem:$0x7FF] =	sst s2;
	s9 =	sadd.s32 $0xA400, s4;
	p0 =	sne.s32 s5, $0x0  }
0xb: {  	_ =	strace $0x80000047;
	s5 =	simm.s32 $0x1;
	s8 =	sadd.s32 s7, s4  }
0xc: {  	s4 =	sadd.s32 s6, s4;
	s7 =	sadd.s32 $0x400, s8;
	s6 =	sadd.s32 $0x5400, s8  }
0xd: {  	s3 =	sadd.s32 $0xAA00, s4;
	s4 =	sshrl.u32 @!p0 s1, $0x3;
	s8 =	simm.s32 $0x1400  }
0xe: {  	s12 =	simm.s32 @!p0 $0x1C01;
	s11 =	simm.s32 @!p0 $0x1  }
0xf: {  	[spmem:s4], [sflag:s12] =	dma.local @!p0 [hbm:s9], $0x4F0  }
0x10: {  	_ =	swait.ge @!p0 [sflag:s11], $0x4F0  }
0x11: {  	[sflag:s11] =	ssyncset.done @!p0 $0x0  }
0x12: {  	[sflag:s11] =	ssyncadd.s32 @!p0 $0xFFFFFB10  }
0x13: {  	[bflag:$0x0] =	sbarrier.arrive $0xFFFF  }
0x14: {  	[tilespmem:s2], [sflag:$0x1] =	stream.linear.gather [hbm4b:s7+s2], $0x1388, $0x38;
	[tilespmem:$0x2A78] =	vst v63  }
0x15: {  	_ =	swait.ge [sflag:s5], $0x1388  }
0x16: {  	[sflag:s5] =	ssyncset.done $0x0  }
0x17: {  	[sflag:s5] =	ssyncadd.s32 $0xFFFFEC78  }
0x18: {  	[tilespmem:s8], [sflag:$0x1] =	stream.linear.gather [hbm4b:s6+s2], $0x1388, $0x38;
	[tilespmem:$0x2A78] =	vst v63  }
0x19: {  	_ =	swait.ge [sflag:s5], $0x1388  }
0x1a: {  	[sflag:s5] =	ssyncset.done $0x0  }
0x1b: {  	[sflag:s5] =	ssyncadd.s32 $0xFFFFEC78  }
0x1c: {  	[spmem:s1] =	stream.indirect.scatter.add.f32 [tilespmem:s2], [sflag:$0x1], $0x1, s8, s10, $0xb8;
	[tilespmem:$0x2A78] =	vst v63  }
0x1d: {  	s13 =	sadd.s32 $0xFFFFFFFF, s13;
	_ =	swait.ge [sflag:s5], $0x1388  }
0x1e: {  	p2 =	sne.s32 s13, $0x0;
	[sflag:s5] =	ssyncset.done $0x0  }
.Ltmp1:
0x1f: {  	[sflag:s5] =	ssyncadd.s32 $0xFFFFEC78;
	(pc) =	sbr.rel @!p2 .LBB2_3-.Ltmp1, $4  }
0x20: {  	s14 =	simm.s32 @!p0 $0x20;
	s15 =	simm.s32 @!p0 $0x10;
	[bflag:$0x0] =	sbarrier.arrive $0xFFFF  }
0x21: {  	[hbm:s3@s14], [sflag:s12] =	dma.strided @!p0 [spmem:s4@s15], $0x4F0, s11, $0x10   }
0x22: {  	_ =	swait.ge @!p0 [sflag:s11], $0x4F0  }
0x23: {  	p1 =	por $0x1, $0x1;
	[sflag:s11] =	ssyncset.done @!p0 $0x0  }
.LBB2_2:
0x24: {  	[sflag:s11] =	ssyncadd.s32 @!p0 $0xFFFFFB10  }
0x25: {  	[spmem:s4], [sflag:s12] =	dma.local @!p0 [hbm:s9], $0x4F0  }
0x26: {  	s13 =	sadd.s32 $0xFFFFFFFF, s13;
	_ =	swait.ge @!p0 [sflag:s11], $0x4F0  }
0x27: {  	p2 =	sne.s32 s13, $0x0;
	[sflag:s11] =	ssyncset.done @!p0 $0x0  }
0x28: {  	[sflag:s11] =	ssyncadd.s32 @!p0 $0xFFFFFB10  }
0x29: {  	[bflag:$0x0] =	sbarrier.arrive $0xFFFF  }
0x2a: {  	[tilespmem:s2], [sflag:$0x1] =	stream.linear.gather [hbm4b:s7+s2], $0x1388, $0x38;
	[tilespmem:$0x2A78] =	vst v63  }
0x2b: {  	_ =	swait.ge [sflag:s5], $0x1388  }
0x2c: {  	[sflag:s5] =	ssyncset.done $0x0  }
0x2d: {  	[sflag:s5] =	ssyncadd.s32 $0xFFFFEC78  }
0x2e: {  	[tilespmem:s8], [sflag:$0x1] =	stream.linear.gather [hbm4b:s6+s2], $0x1388, $0x38;
	[tilespmem:$0x2A78] =	vst v63  }
0x2f: {  	_ =	swait.ge [sflag:s5], $0x1388  }
0x30: {  	[sflag:s5] =	ssyncset.done $0x0  }
0x31: {  	[sflag:s5] =	ssyncadd.s32 $0xFFFFEC78  }
0x32: {  	[spmem:s1] =	stream.indirect.scatter.add.f32 [tilespmem:s2], [sflag:$0x1], $0x1, s8, s10, $0xb8;
	[tilespmem:$0x2A78] =	vst v63  }
0x33: {  	_ =	swait.ge [sflag:s5], $0x1388  }
0x34: {  	[sflag:s5] =	ssyncset.done $0x0  }
.Ltmp2:
0x35: {  	[sflag:s5] =	ssyncadd.s32 $0xFFFFEC78;
	(pc) =	sbr.rel @p2 .LBB2_2-.Ltmp2, $4  }
0x36: {  	[bflag:$0x0] =	sbarrier.arrive $0xFFFF  }
0x37: {  	[hbm:s3@s14], [sflag:s12] =	dma.strided @!p0 [spmem:s4@s15], $0x4F0, s11, $0x10   }
0x38: {  	_ =	swait.ge @!p0 [sflag:s11], $0x4F0  }
0x39: {  	[sflag:s11] =	ssyncset.done @!p0 $0x0  }
.LBB2_3:
0x3a: {  	p1 =	por p0, !p1  }
0x3b: {  	s12 =	simm.s32 @!p0 $0x1C01;
	s13 =	simm.s32 @!p0 $0x1;
	[sflag:s11] =	ssyncadd.s32 @!p1 $0xFFFFFB10  }
0x3c: {  	[spmem:s4], [sflag:s12] =	dma.local @!p0 [hbm:s9], $0x4F0  }
0x3d: {  	_ =	swait.ge @!p0 [sflag:s13], $0x4F0  }
0x3e: {  	[sflag:s13] =	ssyncset.done @!p0 $0x0  }
0x3f: {  	[sflag:s13] =	ssyncadd.s32 @!p0 $0xFFFFFB10  }
0x40: {  	[bflag:$0x0] =	sbarrier.arrive $0xFFFF  }
0x41: {  	[tilespmem:s2], [sflag:$0x1] =	stream.linear.gather [hbm4b:s7+s2], $0x1388, $0x38;
	[tilespmem:$0x2A78] =	vst v63  }
0x42: {  	_ =	swait.ge [sflag:s5], $0x1388  }
0x43: {  	[sflag:s5] =	ssyncset.done $0x0  }
0x44: {  	[sflag:s5] =	ssyncadd.s32 $0xFFFFEC78  }
0x45: {  	[tilespmem:s8], [sflag:$0x1] =	stream.linear.gather [hbm4b:s6+s2], $0x1388, $0x38;
	[tilespmem:$0x2A78] =	vst v63  }
0x46: {  	_ =	swait.ge [sflag:s5], $0x1388  }
0x47: {  	[sflag:s5] =	ssyncset.done $0x0  }
0x48: {  	[sflag:s5] =	ssyncadd.s32 $0xFFFFEC78  }
0x49: {  	[spmem:s1] =	stream.indirect.scatter.add.f32 [tilespmem:s2], [sflag:$0x1], $0x1, s8, s10, $0xb8;
	[tilespmem:$0x2A78] =	vst v63  }
0x4a: {  	_ =	swait.ge [sflag:s5], $0x1388  }
0x4b: {  	[sflag:s5] =	ssyncset.done $0x0  }
0x4c: {  	[sflag:s5] =	ssyncadd.s32 $0xFFFFEC78  }
0x4d: {  	s1 =	simm.s32 @!p0 $0x20;
	s2 =	simm.s32 @!p0 $0x10;
	[bflag:$0x0] =	sbarrier.arrive $0xFFFF  }
0x4e: {  	[hbm:s3@s1], [sflag:s12] =	dma.strided @!p0 [spmem:s4@s2], $0x4F0, s13, $0x10   }
0x4f: {  	_ =	swait.ge @!p0 [sflag:s13], $0x4F0  }
0x50: {  	[sflag:s13] =	ssyncset.done @!p0 $0x0  }
0x51: {  	[sflag:s13] =	ssyncadd.s32 @!p0 $0xFFFFFB10  }
0x52: {  	_ =	sfence.sel $0x180000  }
0x53: {  	[bflag:$0x0] =	sbarrier.arrive $0xFFFF  }
0x54: {  	_ =	strace $0x90000047  }
0x55: {  	s0 =	sadd.s32 @!p0 $0x100000, s0;
	[bflag:$0x2] =	sbarrier.arrive $0xFFFF  }
0x56: {  	[sflag:s0] =	ssyncadd.tile.s32 @!p0 $0x1;
	_ =	shalt  }
.Lfunc_end2:
_tile_overlayer_lowered:
.L_overlay_start_2:
0x57: {  	(tag) =	ssettag $0x2  }
0x58: {  	s0 =	rddreg [dreg:$0x0];
	s2 =	stileid.u32  }
0x59: {  	s1 =	rddreg [dreg:$0x1];
	p0 =	sne.s32 s2, $0x0  }
0x5a: {  	s3 =	rddreg [dreg:$0x2];
	[bflag:$0x3] =	sbarrier.arrive $0xFFFF;
	s2 =	simm.s32 @!p0 $0x1C01  }
0x5b: {  	[timem:s3], [sflag:s2] =	dma.local @!p0 [hbm:s0], s1  }
0x5c: {  	s0 =	simm.s32 @!p0 $0x1  }
0x5d: {  	_ =	swait.ge @!p0 [sflag:s0], s1  }
0x5e: {  	s1 =	ssub.s32 @!p0 $0x0, s1;
	[sflag:s0] =	ssyncset.done @!p0 $0x0  }
0x5f: {  	[sflag:s0] =	ssyncadd.s32 @!p0 s1  }
0x60: {  	[bflag:$0x3] =	sbarrier.arrive $0xFFFF  }
0x61: {  	_ =	shalt  }

</sc_bundles>
